<compile_context>
chip_gen: v7x
topology: tpu7x:2x2x1
jax: 0.10.2.dev20260603
libtpu: 0.0.44.dev20260713+nightly
codegen_flags: <defaults>
</compile_context>

<pallas_src>
import functools

import jax
import jax.numpy as jnp
from jax.experimental import pallas as pl
from jax.experimental.pallas import tpu as pltpu
from jax.experimental.pallas import tpu_sc as plsc

_NW = 32
_CHUNK = 200
_PBLK = 5000
_SBLK = 1600


def _bf16_bits(w):
    r = w.astype(jnp.bfloat16).astype(jnp.float32)
    return jax.lax.shift_right_logical(
        jax.lax.bitcast_convert_type(r, jnp.int32), 16)


def _pack_body(w3_ref, w5_ref, w7_ref, out_ref):
    w3, w5, w7 = w3_ref[...], w5_ref[...], w7_ref[...]
    r, d = w3.shape
    lo = jnp.concatenate([w3, w5], axis=1)
    hi = jnp.concatenate([w7, jnp.zeros((r, d), jnp.float32)], axis=1)
    out_ref[...] = _bf16_bits(lo) | (_bf16_bits(hi) << 16)


def _pack_tables(w3, w5, w7):
    v, d = w3.shape
    grid = v // _PBLK
    return pl.pallas_call(
        _pack_body,
        grid=(grid,),
        in_specs=[pl.BlockSpec((_PBLK, d), lambda i: (i, 0))] * 3,
        out_specs=pl.BlockSpec((_PBLK, 2 * d), lambda i: (i, 0)),
        out_shape=jax.ShapeDtypeStruct((v, 2 * d), jnp.int32),
    )(w3, w5, w7)


def _sc_gather(table, idx):
    b = idx.shape[0]
    _, d = table.shape
    b_per_w = b // _NW
    n_chunks = b_per_w // _CHUNK
    n_pairs = n_chunks // 2
    mesh = plsc.VectorSubcoreMesh(core_axis_name="c", subcore_axis_name="s")

    @functools.partial(
        pl.kernel,
        out_type=jax.ShapeDtypeStruct((b, d), table.dtype),
        mesh=mesh,
        scratch_types=[
            pltpu.VMEM((_CHUNK,), jnp.int32),
            pltpu.VMEM((_CHUNK,), jnp.int32),
            pltpu.VMEM((_CHUNK, d), table.dtype),
            pltpu.VMEM((_CHUNK, d), table.dtype),
            pltpu.SemaphoreType.DMA,
            pltpu.SemaphoreType.DMA,
            pltpu.SemaphoreType.DMA,
            pltpu.SemaphoreType.DMA,
        ],
    )
    def gather_kernel(table_hbm, idx_hbm, out_hbm,
                      i0, i1, r0, r1, sg0, sg1, sw0, sw1):
        wid = jax.lax.axis_index("s") * 2 + jax.lax.axis_index("c")
        tile_base = wid * b_per_w

        @pl.loop(0, n_pairs)
        def _(p):
            base0 = tile_base + 2 * p * _CHUNK
            base1 = base0 + _CHUNK

            @pl.when(p > 0)
            def _():
                pltpu.make_async_copy(
                    r0, out_hbm.at[pl.ds(base0 - 2 * _CHUNK, _CHUNK)],
                    sw0).wait()
                pltpu.make_async_copy(
                    r1, out_hbm.at[pl.ds(base1 - 2 * _CHUNK, _CHUNK)],
                    sw1).wait()

            pltpu.sync_copy(idx_hbm.at[pl.ds(base0, _CHUNK)], i0)
            g0 = pltpu.async_copy(table_hbm.at[i0], r0, sg0)
            pltpu.sync_copy(idx_hbm.at[pl.ds(base1, _CHUNK)], i1)
            g1 = pltpu.async_copy(table_hbm.at[i1], r1, sg1)
            g0.wait()
            pltpu.async_copy(r0, out_hbm.at[pl.ds(base0, _CHUNK)], sw0)
            g1.wait()
            pltpu.async_copy(r1, out_hbm.at[pl.ds(base1, _CHUNK)], sw1)

        end0 = tile_base + (n_chunks - 2) * _CHUNK
        pltpu.make_async_copy(
            r0, out_hbm.at[pl.ds(end0, _CHUNK)], sw0).wait()
        pltpu.make_async_copy(
            r1, out_hbm.at[pl.ds(end0 + _CHUNK, _CHUNK)], sw1).wait()

    return gather_kernel(table, idx)


def _band_matrix(d, k):
    i = jnp.arange(d)
    band = (jnp.abs(i[:, None] - i[None, :]) <= (k - 1) // 2)
    return band.astype(jnp.float32) * (1.0 / k)


def _smooth_matrix(d):
    m = jnp.zeros((4 * d, 3 * d), jnp.float32)
    for b, k in enumerate((3, 5, 7)):
        m = m.at[b * d:(b + 1) * d, b * d:(b + 1) * d].set(_band_matrix(d, k))
    return m


def _strip_body(raw_ref, mlo_ref, mhi_ref, out_ref):
    raw = raw_ref[...]
    lo = jax.lax.bitcast_convert_type(raw << 16, jnp.float32)
    hi = jax.lax.bitcast_convert_type(raw & jnp.int32(-65536), jnp.float32)
    res = (jnp.dot(lo, mlo_ref[...], preferred_element_type=jnp.float32)
           + jnp.dot(hi, mhi_ref[...], preferred_element_type=jnp.float32))
    out_ref[...] = res.astype(jnp.bfloat16)


def _smooth_compact(raw, mlo, mhi):
    b, dpak = raw.shape
    d_out = mlo.shape[1]
    nb = b // _SBLK
    m_spec = pl.BlockSpec((dpak, d_out), lambda j: (0, 0))
    return pl.pallas_call(
        _strip_body,
        grid=(nb,),
        in_specs=[pl.BlockSpec((_SBLK, dpak), lambda j: (j, 0)),
                  m_spec, m_spec],
        out_specs=pl.BlockSpec((_SBLK, d_out), lambda j: (j, 0)),
        out_shape=jax.ShapeDtypeStruct((b, d_out), jnp.bfloat16),
    )(raw, mlo, mhi)


def kernel(x, W3, W5, W7):
    bsz, seq = x.shape
    v, d = W3.shape
    tpack = _pack_tables(W3, W5, W7)
    idx = x.reshape(-1).astype(jnp.int32)
    raw = _sc_gather(tpack, idx)
    m = _smooth_matrix(d)
    mlo, mhi = m[:2 * d], m[2 * d:]
    out16 = _smooth_compact(raw, mlo, mhi)
    return out16.astype(jnp.float32).reshape(bsz, seq, 3 * d)

# --- scband reference (transcript-rebuilt; emitter-appended) ---
"""Pipeline reference for scband-quantile-weighted-embedding-27367531610153 (READ-ONLY COPY).

The authoritative reference and input builder live on the scoring server;
editing this copy changes nothing except your own understanding.
"""

import jax, jax.numpy as jnp
import numpy as np


def _mavg(w, k):
    # Faithful translation of: F.pad(w, (p, p)).unfold(1, k, 1).mean(dim=-1)
    p = (k - 1) // 2
    wp = jnp.pad(w, ((0, 0), (p, p)), mode='constant', constant_values=0.0)
    d = w.shape[1]
    windows = jnp.stack([wp[:, i:i + d] for i in range(k)], axis=-1)  # [N, d, k]
    return windows.mean(axis=-1)


def setup_inputs(seed: int = 0) -> dict:
    key = jax.random.key(seed)
    k1, k2, k3, k4 = jax.random.split(key, 4)
    x = jax.random.randint(k1, (4096, 50), 0, 100000)
    W3 = jax.random.normal(k2, (100000, 64), dtype=jnp.float32)
    W5 = jax.random.normal(k3, (100000, 64), dtype=jnp.float32)
    W7 = jax.random.normal(k4, (100000, 64), dtype=jnp.float32)
    return {"x": x, "W3": W3, "W5": W5, "W7": W7}


def reference(x, W3, W5, W7):
    # update_weights(): sliding-window mean over embedding dim per window size
    w3 = _mavg(W3, 3)
    w5 = _mavg(W5, 5)
    w7 = _mavg(W7, 7)
    # gather per table
    y3 = jnp.take(w3, x, axis=0)  # [B, L, 64]
    y5 = jnp.take(w5, x, axis=0)
    y7 = jnp.take(w7, x, axis=0)
    # reduction == 'none' -> concat along last dim
    return jnp.concatenate([y3, y5, y7], axis=-1)  # [B, L, 192]

if __name__ == "__main__":
    import jax
    _d = setup_inputs()
    print(jax.jit(kernel)(*tuple(_d.values())))

</pallas_src>

<mosaic_0001>
#map = affine_map<(d0, d1) -> (0, 0)>
#map1 = affine_map<(d0, d1) -> (0)>
module attributes {stable_mosaic.version = 14 : i64} {
  func.func @gather_kernel(%arg0: i32, %arg1: i32, %arg2: memref<100000x128xi32, #tpu.memory_space<hbm>>, %arg3: memref<204800xi32, #tpu.memory_space<hbm>>, %arg4: memref<204800x128xi32, #tpu.memory_space<hbm>>, %arg5: memref<200xi32, #tpu.memory_space<vmem>>, %arg6: memref<200xi32, #tpu.memory_space<vmem>>, %arg7: memref<200x128xi32, #tpu.memory_space<vmem>>, %arg8: memref<200x128xi32, #tpu.memory_space<vmem>>, %arg9: memref<!tpu.dma_semaphore, #tpu.memory_space<semaphore_mem>>, %arg10: memref<!tpu.dma_semaphore, #tpu.memory_space<semaphore_mem>>, %arg11: memref<!tpu.dma_semaphore, #tpu.memory_space<semaphore_mem>>, %arg12: memref<!tpu.dma_semaphore, #tpu.memory_space<semaphore_mem>>) attributes {dimension_semantics = [#tpu.dimension_semantics<core_parallel>, #tpu.dimension_semantics<subcore_parallel>], iteration_bounds = array<i64: 2, 16>, scalar_prefetch = 0 : i64, scratch_operands = 8 : i64, tpu.core_type = #tpu.core_type<sc_vector_subcore>, window_params = [{transform_indices = #map}, {transform_indices = #map1}, {transform_indices = #map}]} {
    %mul3A = arith.constant 2 : i32
    %mul3A_0 = arith.muli %arg1, %mul3A : i32
    %add3A = arith.addi %mul3A_0, %arg0 : i32
    %mul3A_1 = arith.constant 6400 : i32
    %mul3A_2 = arith.muli %add3A, %mul3A_1 : i32
    %scan3A = arith.constant 0 : i32
    %scan3A_3 = arith.constant 16 : i32
    %scan3A_4 = arith.addi %scan3A, %scan3A_3 : i32
    %scan3A_5 = arith.constant 1 : i32
    scf.for %scan3A_18 = %scan3A to %scan3A_4 step %scan3A_5  : i32 {
      %mul3A_19 = arith.constant 1 : i32
      %mul3A_20 = arith.muli %scan3A_18, %mul3A_19 : i32
      %add3A_21 = arith.constant 0 : i32
      %add3A_22 = arith.addi %add3A_21, %mul3A_20 : i32
      %mul3A_23 = arith.constant 2 : i32
      %mul3A_24 = arith.muli %mul3A_23, %add3A_22 : i32
      %mul3A_25 = arith.constant 200 : i32
      %mul3A_26 = arith.muli %mul3A_24, %mul3A_25 : i32
      %add3A_27 = arith.addi %mul3A_2, %mul3A_26 : i32
      %add3A_28 = arith.constant 200 : i32
      %add3A_29 = arith.addi %add3A_27, %add3A_28 : i32
      %gt3A = arith.constant 0 : i32
      %gt3A_30 = arith.cmpi sgt, %add3A_22, %gt3A : i32
      %convert_element_type3A = arith.extui %gt3A_30 : i1 to i32
      %cond3A = arith.constant 0 : i32
      %cond3A_31 = arith.cmpi ne, %convert_element_type3A, %cond3A : i32
      scf.if %cond3A_31 {
        %sub3A = arith.constant 400 : i32
        %sub3A_51 = arith.subi %add3A_27, %sub3A : i32
        %dma_wait3A_52 = arith.constant 0 : i32
        %dma_wait3A_53 = tpu.memref_slice %arg4[%sub3A_51, %dma_wait3A_52] : memref<204800x128xi32, #tpu.memory_space<hbm>> -> memref<200x128xi32, #tpu.memory_space<hbm>>
        %dma_wait3A_54 = arith.constant 0 : i32
        %dma_wait3A_55 = tpu.memref_slice %arg4[%sub3A_51, %dma_wait3A_54] : memref<204800x128xi32, #tpu.memory_space<hbm>> -> memref<200x128xi32, #tpu.memory_space<hbm>>
        tpu.wait_dma2 semaphore(%arg11 : memref<!tpu.dma_semaphore, #tpu.memory_space<semaphore_mem>>) src(%arg7 : memref<200x128xi32, #tpu.memory_space<vmem>>) dst(%dma_wait3A_55 : memref<200x128xi32, #tpu.memory_space<hbm>>)
        %sub3A_56 = arith.constant 400 : i32
        %sub3A_57 = arith.subi %add3A_29, %sub3A_56 : i32
        %dma_wait3A_58 = arith.constant 0 : i32
        %dma_wait3A_59 = tpu.memref_slice %arg4[%sub3A_57, %dma_wait3A_58] : memref<204800x128xi32, #tpu.memory_space<hbm>> -> memref<200x128xi32, #tpu.memory_space<hbm>>
        %dma_wait3A_60 = arith.constant 0 : i32
        %dma_wait3A_61 = tpu.memref_slice %arg4[%sub3A_57, %dma_wait3A_60] : memref<204800x128xi32, #tpu.memory_space<hbm>> -> memref<200x128xi32, #tpu.memory_space<hbm>>
        tpu.wait_dma2 semaphore(%arg12 : memref<!tpu.dma_semaphore, #tpu.memory_space<semaphore_mem>>) src(%arg8 : memref<200x128xi32, #tpu.memory_space<vmem>>) dst(%dma_wait3A_61 : memref<200x128xi32, #tpu.memory_space<hbm>>)
      } else {
      }
      "tpu.region"() ({
        %run_scoped3A = tpu.sem_alloc : memref<!tpu.dma_semaphore, #tpu.memory_space<semaphore_mem>>
        %dma_start3A_51 = tpu.memref_slice %arg3[%add3A_27] : memref<204800xi32, #tpu.memory_space<hbm>> -> memref<200xi32, #tpu.memory_space<hbm>>
        %dma_start3A_52 = tpu.memref_slice %arg3[%add3A_27] : memref<204800xi32, #tpu.memory_space<hbm>> -> memref<200xi32, #tpu.memory_space<hbm>>
        tpu.enqueue_dma source(%dma_start3A_52 : memref<200xi32, #tpu.memory_space<hbm>>) target(%arg5 : memref<200xi32, #tpu.memory_space<vmem>>) target_semaphore(%run_scoped3A : memref<!tpu.dma_semaphore, #tpu.memory_space<semaphore_mem>>)
        %dma_wait3A_53 = tpu.memref_slice %arg3[%add3A_27] : memref<204800xi32, #tpu.memory_space<hbm>> -> memref<200xi32, #tpu.memory_space<hbm>>
        %dma_wait3A_54 = tpu.memref_slice %arg3[%add3A_27] : memref<204800xi32, #tpu.memory_space<hbm>> -> memref<200xi32, #tpu.memory_space<hbm>>
        tpu.wait_dma2 semaphore(%run_scoped3A : memref<!tpu.dma_semaphore, #tpu.memory_space<semaphore_mem>>) src(%dma_wait3A_54 : memref<200xi32, #tpu.memory_space<hbm>>) dst(%arg5 : memref<200xi32, #tpu.memory_space<vmem>>)
        tpu.yield
      }) : () -> ()
      %dma_start3A = arith.constant 0 : i32
      %dma_start3A_32 = arith.constant 0 : i32
      %dma_start3A_33 = tpu.memref_slice %arg2[%dma_start3A, %dma_start3A_32] : memref<100000x128xi32, #tpu.memory_space<hbm>> -> memref<100000x128xi32, #tpu.memory_space<hbm>>
      tpu.enqueue_indirect_dma source(%dma_start3A_33 : memref<100000x128xi32, #tpu.memory_space<hbm>>) target(%arg7 : memref<200x128xi32, #tpu.memory_space<vmem>>) offsets(%arg5 : memref<200xi32, #tpu.memory_space<vmem>>) semaphore(%arg9 : memref<!tpu.dma_semaphore, #tpu.memory_space<semaphore_mem>>)
      "tpu.region"() ({
        %run_scoped3A = tpu.sem_alloc : memref<!tpu.dma_semaphore, #tpu.memory_space<semaphore_mem>>
        %dma_start3A_51 = tpu.memref_slice %arg3[%add3A_29] : memref<204800xi32, #tpu.memory_space<hbm>> -> memref<200xi32, #tpu.memory_space<hbm>>
        %dma_start3A_52 = tpu.memref_slice %arg3[%add3A_29] : memref<204800xi32, #tpu.memory_space<hbm>> -> memref<200xi32, #tpu.memory_space<hbm>>
        tpu.enqueue_dma source(%dma_start3A_52 : memref<200xi32, #tpu.memory_space<hbm>>) target(%arg6 : memref<200xi32, #tpu.memory_space<vmem>>) target_semaphore(%run_scoped3A : memref<!tpu.dma_semaphore, #tpu.memory_space<semaphore_mem>>)
        %dma_wait3A_53 = tpu.memref_slice %arg3[%add3A_29] : memref<204800xi32, #tpu.memory_space<hbm>> -> memref<200xi32, #tpu.memory_space<hbm>>
        %dma_wait3A_54 = tpu.memref_slice %arg3[%add3A_29] : memref<204800xi32, #tpu.memory_space<hbm>> -> memref<200xi32, #tpu.memory_space<hbm>>
        tpu.wait_dma2 semaphore(%run_scoped3A : memref<!tpu.dma_semaphore, #tpu.memory_space<semaphore_mem>>) src(%dma_wait3A_54 : memref<200xi32, #tpu.memory_space<hbm>>) dst(%arg6 : memref<200xi32, #tpu.memory_space<vmem>>)
        tpu.yield
      }) : () -> ()
      %dma_start3A_34 = arith.constant 0 : i32
      %dma_start3A_35 = arith.constant 0 : i32
      %dma_start3A_36 = tpu.memref_slice %arg2[%dma_start3A_34, %dma_start3A_35] : memref<100000x128xi32, #tpu.memory_space<hbm>> -> memref<100000x128xi32, #tpu.memory_space<hbm>>
      tpu.enqueue_indirect_dma source(%dma_start3A_36 : memref<100000x128xi32, #tpu.memory_space<hbm>>) target(%arg8 : memref<200x128xi32, #tpu.memory_space<vmem>>) offsets(%arg6 : memref<200xi32, #tpu.memory_space<vmem>>) semaphore(%arg10 : memref<!tpu.dma_semaphore, #tpu.memory_space<semaphore_mem>>)
      %dma_wait3A_37 = arith.constant 0 : i32
      %dma_wait3A_38 = arith.constant 0 : i32
      %dma_wait3A_39 = tpu.memref_slice %arg2[%dma_wait3A_37, %dma_wait3A_38] : memref<100000x128xi32, #tpu.memory_space<hbm>> -> memref<100000x128xi32, #tpu.memory_space<hbm>>
      tpu.wait_indirect_dma semaphore(%arg9 : memref<!tpu.dma_semaphore, #tpu.memory_space<semaphore_mem>>) src(%dma_wait3A_39 : memref<100000x128xi32, #tpu.memory_space<hbm>>) dst(%arg7 : memref<200x128xi32, #tpu.memory_space<vmem>>)
      %dma_start3A_40 = arith.constant 0 : i32
      %dma_start3A_41 = tpu.memref_slice %arg4[%add3A_27, %dma_start3A_40] : memref<204800x128xi32, #tpu.memory_space<hbm>> -> memref<200x128xi32, #tpu.memory_space<hbm>>
      %dma_start3A_42 = arith.constant 0 : i32
      %dma_start3A_43 = tpu.memref_slice %arg4[%add3A_27, %dma_start3A_42] : memref<204800x128xi32, #tpu.memory_space<hbm>> -> memref<200x128xi32, #tpu.memory_space<hbm>>
      tpu.enqueue_dma source(%arg7 : memref<200x128xi32, #tpu.memory_space<vmem>>) target(%dma_start3A_43 : memref<200x128xi32, #tpu.memory_space<hbm>>) target_semaphore(%arg11 : memref<!tpu.dma_semaphore, #tpu.memory_space<semaphore_mem>>)
      %dma_wait3A_44 = arith.constant 0 : i32
      %dma_wait3A_45 = arith.constant 0 : i32
      %dma_wait3A_46 = tpu.memref_slice %arg2[%dma_wait3A_44, %dma_wait3A_45] : memref<100000x128xi32, #tpu.memory_space<hbm>> -> memref<100000x128xi32, #tpu.memory_space<hbm>>
      tpu.wait_indirect_dma semaphore(%arg10 : memref<!tpu.dma_semaphore, #tpu.memory_space<semaphore_mem>>) src(%dma_wait3A_46 : memref<100000x128xi32, #tpu.memory_space<hbm>>) dst(%arg8 : memref<200x128xi32, #tpu.memory_space<vmem>>)
      %dma_start3A_47 = arith.constant 0 : i32
      %dma_start3A_48 = tpu.memref_slice %arg4[%add3A_29, %dma_start3A_47] : memref<204800x128xi32, #tpu.memory_space<hbm>> -> memref<200x128xi32, #tpu.memory_space<hbm>>
      %dma_start3A_49 = arith.constant 0 : i32
      %dma_start3A_50 = tpu.memref_slice %arg4[%add3A_29, %dma_start3A_49] : memref<204800x128xi32, #tpu.memory_space<hbm>> -> memref<200x128xi32, #tpu.memory_space<hbm>>
      tpu.enqueue_dma source(%arg8 : memref<200x128xi32, #tpu.memory_space<vmem>>) target(%dma_start3A_50 : memref<200x128xi32, #tpu.memory_space<hbm>>) target_semaphore(%arg12 : memref<!tpu.dma_semaphore, #tpu.memory_space<semaphore_mem>>)
    }
    %scan3A_6 = arith.constant 16 : i32
    %add3A_7 = arith.constant 6000 : i32
    %add3A_8 = arith.addi %mul3A_2, %add3A_7 : i32
    %dma_wait3A = arith.constant 0 : i32
    %dma_wait3A_9 = tpu.memref_slice %arg4[%add3A_8, %dma_wait3A] : memref<204800x128xi32, #tpu.memory_space<hbm>> -> memref<200x128xi32, #tpu.memory_space<hbm>>
    %dma_wait3A_10 = arith.constant 0 : i32
    %dma_wait3A_11 = tpu.memref_slice %arg4[%add3A_8, %dma_wait3A_10] : memref<204800x128xi32, #tpu.memory_space<hbm>> -> memref<200x128xi32, #tpu.memory_space<hbm>>
    tpu.wait_dma2 semaphore(%arg11 : memref<!tpu.dma_semaphore, #tpu.memory_space<semaphore_mem>>) src(%arg7 : memref<200x128xi32, #tpu.memory_space<vmem>>) dst(%dma_wait3A_11 : memref<200x128xi32, #tpu.memory_space<hbm>>)
    %add3A_12 = arith.constant 200 : i32
    %add3A_13 = arith.addi %add3A_8, %add3A_12 : i32
    %dma_wait3A_14 = arith.constant 0 : i32
    %dma_wait3A_15 = tpu.memref_slice %arg4[%add3A_13, %dma_wait3A_14] : memref<204800x128xi32, #tpu.memory_space<hbm>> -> memref<200x128xi32, #tpu.memory_space<hbm>>
    %dma_wait3A_16 = arith.constant 0 : i32
    %dma_wait3A_17 = tpu.memref_slice %arg4[%add3A_13, %dma_wait3A_16] : memref<204800x128xi32, #tpu.memory_space<hbm>> -> memref<200x128xi32, #tpu.memory_space<hbm>>
    tpu.wait_dma2 semaphore(%arg12 : memref<!tpu.dma_semaphore, #tpu.memory_space<semaphore_mem>>) src(%arg8 : memref<200x128xi32, #tpu.memory_space<vmem>>) dst(%dma_wait3A_17 : memref<200x128xi32, #tpu.memory_space<hbm>>)
    return
  }
}

module attributes {stable_mosaic.version = 14 : i64} {
  func.func @_pack_body(%arg0: i32, %arg1: memref<5000x64xf32, #tpu.memory_space<vmem>>, %arg2: memref<5000x64xf32, #tpu.memory_space<vmem>>, %arg3: memref<5000x64xf32, #tpu.memory_space<vmem>>, %arg4: memref<5000x128xi32, #tpu.memory_space<vmem>>) attributes {dimension_semantics = [#tpu.dimension_semantics<arbitrary>], iteration_bounds = array<i64: 20>, scalar_prefetch = 0 : i64, scratch_operands = 0 : i64, tpu.core_type = #tpu.core_type<tc>, window_params = [{transform_indices = @transform_0, window_bounds = array<i64: 5000, 64>}, {transform_indices = @transform_1, window_bounds = array<i64: 5000, 64>}, {transform_indices = @transform_2, window_bounds = array<i64: 5000, 64>}, {transform_indices = @transform_3, window_bounds = array<i64: 5000, 128>}]} {
    %get3A = arith.constant 0 : index
    %get3A_0 = arith.constant 0 : index
    %get3A_1 = vector.load %arg1[%get3A, %get3A_0] : memref<5000x64xf32, #tpu.memory_space<vmem>>, vector<5000x64xf32>
    %get3A_2 = arith.constant 0 : index
    %get3A_3 = arith.constant 0 : index
    %get3A_4 = vector.load %arg2[%get3A_2, %get3A_3] : memref<5000x64xf32, #tpu.memory_space<vmem>>, vector<5000x64xf32>
    %get3A_5 = arith.constant 0 : index
    %get3A_6 = arith.constant 0 : index
    %get3A_7 = vector.load %arg3[%get3A_5, %get3A_6] : memref<5000x64xf32, #tpu.memory_space<vmem>>, vector<5000x64xf32>
    %concatenate3A = tpu.concatenate %get3A_1, %get3A_4 in 1 : vector<5000x64xf32>, vector<5000x64xf32> -> vector<5000x128xf32>
    %broadcast_in_dim3A = arith.constant 0.000000e+00 : f32
    %broadcast_in_dim3A_8 = vector.broadcast %broadcast_in_dim3A : f32 to vector<5000x64xf32>
    %concatenate3A_9 = tpu.concatenate %get3A_7, %broadcast_in_dim3A_8 in 1 : vector<5000x64xf32>, vector<5000x64xf32> -> vector<5000x128xf32>
    %convert_element_type3A = arith.truncf %concatenate3A : vector<5000x128xf32> to vector<5000x128xbf16>
    %convert_element_type3A_10 = arith.extf %convert_element_type3A : vector<5000x128xbf16> to vector<5000x128xf32>
    %bitcast_convert_type3A = tpu.bitcast %convert_element_type3A_10 : vector<5000x128xf32> -> vector<5000x128xi32>
    %shift_right_logical3A = arith.constant 16 : i32
    %shift_right_logical3A_11 = vector.broadcast %shift_right_logical3A : i32 to vector<5000x128xi32>
    %shift_right_logical3A_12 = arith.shrui %bitcast_convert_type3A, %shift_right_logical3A_11 : vector<5000x128xi32>
    %convert_element_type3A_13 = arith.truncf %concatenate3A_9 : vector<5000x128xf32> to vector<5000x128xbf16>
    %convert_element_type3A_14 = arith.extf %convert_element_type3A_13 : vector<5000x128xbf16> to vector<5000x128xf32>
    %bitcast_convert_type3A_15 = tpu.bitcast %convert_element_type3A_14 : vector<5000x128xf32> -> vector<5000x128xi32>
    %shift_right_logical3A_16 = arith.constant 16 : i32
    %shift_right_logical3A_17 = vector.broadcast %shift_right_logical3A_16 : i32 to vector<5000x128xi32>
    %shift_right_logical3A_18 = arith.shrui %bitcast_convert_type3A_15, %shift_right_logical3A_17 : vector<5000x128xi32>
    %shift_left3A = arith.constant 16 : i32
    %shift_left3A_19 = vector.broadcast %shift_left3A : i32 to vector<5000x128xi32>
    %shift_left3A_20 = arith.shli %shift_right_logical3A_18, %shift_left3A_19 : vector<5000x128xi32>
    %or3A = arith.ori %shift_right_logical3A_12, %shift_left3A_20 : vector<5000x128xi32>
    %swap3A = arith.constant 0 : index
    %swap3A_21 = arith.constant 0 : index
    %swap3A_22 = vector.load %arg4[%swap3A, %swap3A_21] : memref<5000x128xi32, #tpu.memory_space<vmem>>, vector<5000x128xi32>
    tpu.vector_store %arg4[%swap3A, %swap3A_21], %or3A {strides = array<i32>} : memref<5000x128xi32, #tpu.memory_space<vmem>>, vector<5000x128xi32>,
    return
  }
  func.func @transform_0(%arg0: i32) -> (i32, i32) {
    %c0_i32 = arith.constant 0 : i32
    %c0_i32_0 = arith.constant 0 : i32
    return %arg0, %c0_i32 : i32, i32
  }
  func.func @transform_1(%arg0: i32) -> (i32, i32) {
    %c0_i32 = arith.constant 0 : i32
    %c0_i32_0 = arith.constant 0 : i32
    return %arg0, %c0_i32 : i32, i32
  }
  func.func @transform_2(%arg0: i32) -> (i32, i32) {
    %c0_i32 = arith.constant 0 : i32
    %c0_i32_0 = arith.constant 0 : i32
    return %arg0, %c0_i32 : i32, i32
  }
  func.func @transform_3(%arg0: i32) -> (i32, i32) {
    %c0_i32 = arith.constant 0 : i32
    %c0_i32_0 = arith.constant 0 : i32
    return %arg0, %c0_i32 : i32, i32
  }
}

module attributes {stable_mosaic.version = 14 : i64} {
  func.func @_strip_body(%arg0: i32, %arg1: memref<1600x128xi32, #tpu.memory_space<vmem>>, %arg2: memref<128x192xf32, #tpu.memory_space<vmem>>, %arg3: memref<128x192xf32, #tpu.memory_space<vmem>>, %arg4: memref<1600x192xbf16, #tpu.memory_space<vmem>>) attributes {dimension_semantics = [#tpu.dimension_semantics<arbitrary>], iteration_bounds = array<i64: 128>, scalar_prefetch = 0 : i64, scratch_operands = 0 : i64, tpu.core_type = #tpu.core_type<tc>, window_params = [{transform_indices = @transform_0, window_bounds = array<i64: 1600, 128>}, {pipeline_mode = #tpu.pipeline_mode<synchronous>, transform_indices = @transform_1, window_bounds = array<i64: 128, 192>}, {pipeline_mode = #tpu.pipeline_mode<synchronous>, transform_indices = @transform_2, window_bounds = array<i64: 128, 192>}, {transform_indices = @transform_3, window_bounds = array<i64: 1600, 192>}]} {
    %get3A = arith.constant 0 : index
    %get3A_0 = arith.constant 0 : index
    %get3A_1 = vector.load %arg1[%get3A, %get3A_0] : memref<1600x128xi32, #tpu.memory_space<vmem>>, vector<1600x128xi32>
    %shift_left3A = arith.constant 16 : i32
    %shift_left3A_2 = vector.broadcast %shift_left3A : i32 to vector<1600x128xi32>
    %shift_left3A_3 = arith.shli %get3A_1, %shift_left3A_2 : vector<1600x128xi32>
    %bitcast_convert_type3A = tpu.bitcast %shift_left3A_3 : vector<1600x128xi32> -> vector<1600x128xf32>
    %and3A = arith.constant -65536 : i32
    %and3A_4 = vector.broadcast %and3A : i32 to vector<1600x128xi32>
    %and3A_5 = arith.andi %get3A_1, %and3A_4 : vector<1600x128xi32>
    %bitcast_convert_type3A_6 = tpu.bitcast %and3A_5 : vector<1600x128xi32> -> vector<1600x128xf32>
    %get3A_7 = arith.constant 0 : index
    %get3A_8 = arith.constant 0 : index
    %get3A_9 = vector.load %arg2[%get3A_7, %get3A_8] : memref<128x192xf32, #tpu.memory_space<vmem>>, vector<128x192xf32>
    %dot_general3A = arith.constant dense<0.000000e+00> : vector<1600x192xf32>
    %dot_general3A_10 = tpu.matmul %bitcast_convert_type3A, %get3A_9, %dot_general3A {dimension_numbers = #tpu.dot_dimension_numbers<[1], [0], [0], [1], [0, 0, 1, 1], [], []>, transpose_lhs_hint = false} : vector<1600x128xf32>, vector<128x192xf32>, vector<1600x192xf32> -> vector<1600x192xf32>
    %get3A_11 = arith.constant 0 : index
    %get3A_12 = arith.constant 0 : index
    %get3A_13 = vector.load %arg3[%get3A_11, %get3A_12] : memref<128x192xf32, #tpu.memory_space<vmem>>, vector<128x192xf32>
    %dot_general3A_14 = arith.constant dense<0.000000e+00> : vector<1600x192xf32>
    %dot_general3A_15 = tpu.matmul %bitcast_convert_type3A_6, %get3A_13, %dot_general3A_14 {dimension_numbers = #tpu.dot_dimension_numbers<[1], [0], [0], [1], [0, 0, 1, 1], [], []>, transpose_lhs_hint = false} : vector<1600x128xf32>, vector<128x192xf32>, vector<1600x192xf32> -> vector<1600x192xf32>
    %add3A = arith.addf %dot_general3A_10, %dot_general3A_15 : vector<1600x192xf32>
    %convert_element_type3A = arith.truncf %add3A : vector<1600x192xf32> to vector<1600x192xbf16>
    %swap3A = arith.constant 0 : index
    %swap3A_16 = arith.constant 0 : index
    %swap3A_17 = vector.load %arg4[%swap3A, %swap3A_16] : memref<1600x192xbf16, #tpu.memory_space<vmem>>, vector<1600x192xbf16>
    tpu.vector_store %arg4[%swap3A, %swap3A_16], %convert_element_type3A {strides = array<i32>} : memref<1600x192xbf16, #tpu.memory_space<vmem>>, vector<1600x192xbf16>,
    return
  }
  func.func @transform_0(%arg0: i32) -> (i32, i32) {
    %c0_i32 = arith.constant 0 : i32
    %c0_i32_0 = arith.constant 0 : i32
    return %arg0, %c0_i32 : i32, i32
  }
  func.func @transform_1(%arg0: i32) -> (i32, i32) {
    %c0_i32 = arith.constant 0 : i32
    %c0_i32_0 = arith.constant 0 : i32
    %c0_i32_1 = arith.constant 0 : i32
    return %c0_i32, %c0_i32_0 : i32, i32
  }
  func.func @transform_2(%arg0: i32) -> (i32, i32) {
    %c0_i32 = arith.constant 0 : i32
    %c0_i32_0 = arith.constant 0 : i32
    %c0_i32_1 = arith.constant 0 : i32
    return %c0_i32, %c0_i32_0 : i32, i32
  }
  func.func @transform_3(%arg0: i32) -> (i32, i32) {
    %c0_i32 = arith.constant 0 : i32
    %c0_i32_0 = arith.constant 0 : i32
    return %arg0, %c0_i32 : i32, i32
  }
}

</mosaic_0001>

<sc_bundles>
// kernel: kernel.5.cloned.1.call-start
scs
__scs_entry_jumppad:
0x0: {  	(pc) =	sbr.rel $0x88, $3  }
0x1: {  	(tag) =	ssettag $0x0;
	lr =	simm.s32 $0x1  }
0x2: {  	[smem:$0x3F9D] =	sst lr;
	_ =	strace $0xD0000000  }
0x3: {  	_ = 	snop  }
0x4: {  	_ = 	snop  }
0x5: {  	_ = 	snop  }
0x6: {  	_ = 	snop  }
0x7: {  	_ = 	snop  }
__scs_overlays_trampoline_lowered:
0x8: {  	[smem:$0x3FAC] =	sst s0  }
0x9: {  	[smem:$0x3FAD] =	sst s1  }
0xa: {  	[smem:$0x3FAE] =	sst s2  }
0xb: {  	[smem:$0x3FAF] =	sst s3  }
0xc: {  	[smem:$0x3FB0] =	sst s4  }
0xd: {  	[smem:$0x3FB1] =	sst s5  }
0xe: {  	[smem:$0x3FB2] =	sst s6  }
0xf: {  	[smem:$0x3FB3] =	sst s7  }
0x10: {  	[smem:$0x3FB4] =	sst s8  }
0x11: {  	[smem:$0x3FB5] =	sst s9;
	s0 =	simm.s32 @!p0 $0x0  }
0x12: {  	s1 =	sld [smem:$0x3F9B];
	s0 =	simm.s32 @p0 $0x1  }
0x13: {  	[smem:$0x3FB6] =	sst s0;
	s0 =	simm.s32 @!p1 $0x0  }
0x14: {  	s2 =	sld [smem:$0x3F9A];
	s0 =	simm.s32 @p1 $0x1  }
0x15: {  	[smem:$0x3FB7] =	sst s0;
	s0 =	simm.s32 @!p2 $0x0  }
0x16: {  	s3 =	sld [smem:$0x3FDB];
	s0 =	simm.s32 @p2 $0x1  }
0x17: {  	s4 =	simm.s32 $0x1BF5;
	[smem:$0x3FB9] =	sst s0  }
0x18: {  	s0 =	sld [smem:$0x3F9C];
	_ =	swait.ge [sflag:s4], $0x0  }
0x19: {  	s7 =	sld [smem:$0x3F9D]  }
0x1a: {  	s8 =	sadd.s32 $0xFFFFE003, lr  }
0x1b: {  	s9 =	sadd.s32 $0xFFFFFEF7, lr;
	s5 =	simm.s32 $0xFFFFFFFF;
	p2 =	slt.u32 s8, $0xFFFFF086  }
0x1c: {  	p1 =	slt.u32 s9, $0xF7A;
	s5 =	simm.s32 @!p2 $0x0  }
0x1d: {  	s5 =	simm.s32 @p1 $0x1;
	p0 =	seq.s32 s7, s2  }
0x1e: {  	s7 =	smul.u32 @!p0 $0xF7A, s2;
	p2 =	seq.s32 @!p0 s5, $0x0  }
0x1f: {  	s9 =	smul.u32 $0xF7A, s1;
	s8 =	simm.s32 @!p0 $0x1BF5;
	p2 =	por !p2, p0  }
0x20: {  	[sflag:s8] =	ssyncset.s32 @!p0 $0xFFFFF086;
	s6 =	sadd.s32 @!p0 s3, s7;
	s7 =	simm.s32 @!p0 $0x108  }
0x21: {  	s3 =	sadd.s32 s3, s9;
	s6 =	sadd.s32 @!p0 $0x88, s6;
	s7 =	simm.s32 @p2 $0x1082  }
0x22: {  	[simem:s7], [sflag:s8] =	dma.local @!p0 [hbm:s6], $0xF7A  }
0x23: {  	s9 =	sor.u32 $0xD0000000, s2;
	s6 =	simm.s32 $0x108;
	_ =	swait.ge @!p0 [sflag:s8], $0x0  }
0x24: {  	s3 =	sadd.s32 $0x88, s3;
	s6 =	simm.s32 @!p1 $0x1082;
	[sflag:s4] =	ssyncset.s32 $0xFFFFF086  }
0x25: {  	[simem:s6], [sflag:s4] =	dma.local [hbm:s3], $0xF7A  }
0x26: {  	[smem:$0x3F9D] =	sst s1;
	(tag) =	ssettag s2;
	_ =	strace s9  }
0x27: {  	s1 =	sld [smem:$0x3FAD]  }
0x28: {  	s2 =	sld [smem:$0x3FAE]  }
0x29: {  	s4 =	sld [smem:$0x3FB0]  }
0x2a: {  	p0 =	seq.s32 s5, $0x0;
	s5 =	sld [smem:$0x3FB1]  }
0x2b: {  	s6 =	sld [smem:$0x3FB2]  }
0x2c: {  	s7 =	sld [smem:$0x3FB3]  }
0x2d: {  	s3 =	simm.s32 $0x108;
	s8 =	sld [smem:$0x3FB4]  }
0x2e: {  	s3 =	simm.s32 @!p0 $0x1082;
	s9 =	sld [smem:$0x3FB5]  }
0x2f: {  	lr =	sadd.s32 s0, s3;
	s0 =	sld [smem:$0x3FAC]  }
0x30: {  	s3 =	sld [smem:$0x3FAF]  }
0x31: {  	[smem:$0x3FB8] =	sst s10  }
0x32: {  	s10 =	sld [smem:$0x3FB6];
	_ =	sdelay $0x3  }
0x33: {  	p0 =	seq.s32 s10, $0x1;
	s10 =	sld [smem:$0x3FB8];
	_ =	sdelay $0x3  }
0x34: {  	[smem:$0x3FB8] =	sst s10  }
0x35: {  	s10 =	sld [smem:$0x3FB7];
	_ =	sdelay $0x3  }
0x36: {  	p1 =	seq.s32 s10, $0x1;
	s10 =	sld [smem:$0x3FB8];
	_ =	sdelay $0x3  }
0x37: {  	[smem:$0x3FB8] =	sst s10  }
0x38: {  	s10 =	sld [smem:$0x3FB9]  }
0x39: {  	_ = 	snop;
	(pc) =	sbr.ind lr, $3  }
0x3a: {  	_ = 	snop  }
0x3b: {  	_ = 	snop  }
0x3c: {  	p2 =	seq.s32 s10, $0x1;
	s10 =	sld [smem:$0x3FB8]  }
0x3d: {  	_ =	shalt  }
0x3e: {  	_ =	shalt  }
0x3f: {  	_ =	shalt  }
0x40: {  	_ =	shalt  }
0x41: {  	_ =	shalt  }
0x42: {  	_ =	shalt  }
0x43: {  	_ =	shalt  }
0x44: {  	_ =	shalt  }
0x45: {  	_ =	shalt  }
0x46: {  	_ =	shalt  }
0x47: {  	_ =	shalt  }
0x48: {  	_ =	shalt  }
0x49: {  	_ =	shalt  }
0x4a: {  	_ =	shalt  }
0x4b: {  	_ =	shalt  }
0x4c: {  	_ =	shalt  }
0x4d: {  	_ =	shalt  }
0x4e: {  	_ =	shalt  }
0x4f: {  	_ =	shalt  }
0x50: {  	_ =	shalt  }
0x51: {  	_ =	shalt  }
0x52: {  	_ =	shalt  }
0x53: {  	_ =	shalt  }
0x54: {  	_ =	shalt  }
0x55: {  	_ =	shalt  }
0x56: {  	_ =	shalt  }
0x57: {  	_ =	shalt  }
0x58: {  	_ =	shalt  }
0x59: {  	_ =	shalt  }
0x5a: {  	_ =	shalt  }
0x5b: {  	_ =	shalt  }
0x5c: {  	_ =	shalt  }
0x5d: {  	_ =	shalt  }
0x5e: {  	_ =	shalt  }
0x5f: {  	_ =	shalt  }
0x60: {  	_ =	shalt  }
0x61: {  	_ =	shalt  }
0x62: {  	_ =	shalt  }
0x63: {  	_ =	shalt  }
0x64: {  	_ =	shalt  }
0x65: {  	_ =	shalt  }
0x66: {  	_ =	shalt  }
0x67: {  	_ =	shalt  }
0x68: {  	_ =	shalt  }
0x69: {  	_ =	shalt  }
0x6a: {  	_ =	shalt  }
0x6b: {  	_ =	shalt  }
0x6c: {  	_ =	shalt  }
0x6d: {  	_ =	shalt  }
0x6e: {  	_ =	shalt  }
0x6f: {  	_ =	shalt  }
0x70: {  	_ =	shalt  }
0x71: {  	_ =	shalt  }
0x72: {  	_ =	shalt  }
0x73: {  	_ =	shalt  }
0x74: {  	_ =	shalt  }
0x75: {  	_ =	shalt  }
0x76: {  	_ =	shalt  }
0x77: {  	_ =	shalt  }
0x78: {  	_ =	shalt  }
0x79: {  	_ =	shalt  }
0x7a: {  	_ =	shalt  }
0x7b: {  	_ =	shalt  }
0x7c: {  	_ =	shalt  }
0x7d: {  	_ =	shalt  }
0x7e: {  	_ =	shalt  }
0x7f: {  	_ =	shalt  }
0x80: {  	_ =	shalt  }
0x81: {  	_ =	shalt  }
0x82: {  	_ =	shalt  }
0x83: {  	_ =	shalt  }
0x84: {  	_ =	shalt  }
0x85: {  	_ =	shalt  }
0x86: {  	_ =	shalt  }
0x87: {  	_ =	shalt  }
.Lfunc_end0:
.L_simem_size_0:
called_computation.1_lowered:
.L_overlay_start_0:
0x88: {  	s2 =	sld [smem:$0x3FD9]  }
0x89: {  	s3 =	sld [smem:$0x3FFE];
	_ =	sdelay $0x1  }
0x8a: {  	s1 =	srdreg.scid  }
0x8b: {  	s0 =	sand.u32 $0x1, s1  }
0x8c: {  	s16 =	sshll.u32 s0, $0xA;
	s2 =	sadd.s32 s3, s2  }
0x8d: {  	s2 =	sadd.s32 s2, s16  }
0x8e: {  	[smem:$0x3FC4] =	sst s2  }
0x8f: {  	_ = 	snop  }
0x90: {  	(tm) =	ssettm $0x1  }
0x91: {  	s17 =	sld [smem:$0x3FFB];
	_ =	sdelay $0x3  }
0x92: {  	_ =	strace s17  }
0x93: {  	s2 =	sld [smem:$0x3FFC];
	_ =	sdelay $0x3  }
0x94: {  	_ =	strace s2  }
0x95: {  	s2 =	sld [smem:$0x3FFD];
	_ =	sdelay $0x3  }
0x96: {  	_ =	strace s2  }
0x97: {  	_ =	strace $0x8FFFFFFF  }
0x98: {  	s18 =	sld [smem:$0x3FDB];
	_ =	sdelay $0x1  }
0x99: {  	s19 =	simm.s32 $_scs_section_size  }
0x9a: {  	s4 =	simm.s32 $_size__tile_overlayer_lowered;
	s5 =	simm.s32 $_tile_overlayer_lowered  }
0x9b: {  	s22 =	simm.s32 $0x1BFF;
	s21 =	sshll.u32 s5, $0x1;
	s2 =	sadd.s32 s19, s18  }
0x9c: {  	s6 =	simm.s32 $0x0;
	s20 =	sshll.u32 s4, $0x1;
	s4 =	sadd.s32 s21, s2  }
0x9d: {  	[timem:s6], [sflag:s22] =	dma.local [hbm:s4], s20  }
0x9e: {  	_ =	swait.ge [sflag:s22], s20  }
0x9f: {  	s3 =	ssub.s32 $0x0, s20;
	[sflag:s22] =	ssyncset.done $0x0  }
0xa0: {  	[sflag:s22] =	ssyncadd.s32 s3;
	_ =	sdelay $0x1  }
0xa1: {  	s23 =	simm.s32 $0x1B8B  }
0xa2: {  	_ =	swait.ge [sflag:s23], $0x1  }
0xa3: {  	[sflag:s23] =	ssyncset.done $0x0  }
0xa4: {  	s25 =	simm.s32 $0x1B8E;
	s24 =	sld [smem:$0x3FFE];
	[sflag:s23] =	ssyncadd.s32 $0xFFFFFFFF  }
0xa5: {  	s26 =	simm.s32 $execute0_lowered;
	[smem:$0x3FD2] =	sst s25  }
0xa6: {  	s4 =	sshll.u32 s26, $0x1;
	_ =	strace $0x80000046;
	[dreg:$0x1] =	wrdreg $0xFFFFFFFF  }
0xa7: {  	s28 =	simm.s32 $_size_execute0_lowered;
	s2 =	sadd.s32 s2, s4;
	[dreg:$0x0] =	wrdreg $0x0  }
0xa8: {  	s4 =	sshll.u32 s28, $0x1;
	[dreg:$0x2] =	wrdreg s2  }
0xa9: {  	[dreg:$0x3] =	wrdreg s4  }
0xaa: {  	[dreg:$0x4] =	wrdreg $0xC0  }
0xab: {  	_ =	task [dreg:s6], $0x5FFFF  }
0xac: {  	[dreg:$0x1] =	wrdreg $0xFFFFFFFF  }
0xad: {  	[dreg:$0x0] =	wrdreg $0x60  }
0xae: {  	[dreg:$0x2] =	wrdreg s24  }
0xaf: {  	[dreg:$0x3] =	wrdreg $0x9  }
0xb0: {  	_ =	task.clear_ibuf [dreg:s6], $0x4FFFF;
	_ =	strace $0x90000046  }
0xb1: {  	s29 =	simm.s32 $0x9;
	_ =	strace $0x80000048  }
0xb2: {  	_ =	swait.ge [sflag:s29], $0x1  }
0xb3: {  	[sflag:s29] =	ssyncadd.s32 $0xFFFFFFFF  }
0xb4: {  	_ =	strace $0x90000048  }
0xb5: {  	_ =	sfence  }
0xb6: {  	s30 =	sld [smem:$0x0];
	_ =	sdelay $0x2  }
0xb7: {  	s31 =	sshll.u32 s1, $0xD;
	s1 =	sshrl.u32 s1, $0x2  }
0xb8: {  	s3 =	sand.u32 $0x4000, s31;
	s1 =	sadd.s32 s1, s30  }
0xb9: {  	s0 =	sor.u32 s3, s0;
	s1 =	sshll.u32 s1, $0x11  }
0xba: {  	s0 =	sor.u32 s1, s0  }
0xbb: {  	s0 =	sadd.s32 $0x8F2B, s0  }
0xbc: {  	[sflag:s0] =	ssyncadd.remote.s32 $0x1  }
0xbd: {  	_ =	sfence.sel $0xFFFF  }
0xbe: {  	[dreg:$0x0] =	wrdreg $0xFFFFFFFF;
	(pc) =	sbr.abs _section_cstart, $3  }
0xbf: {  	[dreg:$0x1] =	wrdreg $0xFFFFFFFF  }
0xc0: {  	_ =	task.clear_ibuf [dreg:s6], $0x2FFFF;
	_ =	strace $0x9FFFFFFF  }
0xc1: {  	(tm) =	ssettm $0x7FFFFFFF  }
tec
execute0_lowered:
.L_overlay_start_1:
0x0: {  	(tag) =	ssettag $0x1  }
0x1: {  	s5 =	rddreg [dreg:$0x0]  }
0x2: {  	s0 =	rddreg [dreg:$0x1];
	s2 =	simm.s32 $0x0;
	s3 =	srdreg.scid  }
0x3: {  	s1 =	stileid.u32;
	s16 =	simm.s32 $0x100;
	s17 =	simm.s32 $0x6600  }
0x4: {  	s18 =	simm.s32 $0x1;
	s19 =	simm.s32 $0x2;
	s20 =	simm.s32 $0x3  }
0x5: {  	[smem:$0x7FF] =	sst s2;
	s8 =	sand.u32 $0x1, s3;
	s23 =	smul.u32 $0x32000, s1  }
0x6: {  	s21 =	sshll.u32 s1, $0x1;
	s3 =	sadd.s32 $0x315E00, s5;
	s14 =	smul.u32 $0x3200, s1  }
0x7: {  	s4 =	sadd.s32 $0x2600, s5;
	s12 =	sadd.s32 $0x49C800, s5;
	s26 =	smul.u32 $0x1900, s8  }
0x8: {  	s6 =	sor.u32 s8, s21;
	s7 =	ssub.s32 $0x2, s8;
	s15 =	smul.u32 $0x19000, s8  }
0x9: {  	_ =	strace $0x80000047;
	s9 =	smul.u32 $0x1900, s6;
	s10 =	sshrl.u32 s7, $0x1  }
0xa: {  	s21 =	simm.s32 $0x4;
	s11 =	smul.u32 $0x19000, s6;
	s22 =	ssub.s32 s7, s10  }
0xb: {  	s10 =	sadd.s32 s23, s12;
	s28 =	sadd.s32 s26, s14;
	s14 =	simm.s32 $0xC8  }
0xc: {  	s5 =	smax.u32 s22, $0x1;
	s13 =	sor.u32 $0xC8, s9;
	s24 =	sshrl.u32 s9, $0x3  }
0xd: {  	s8 =	sadd.s32 s12, s11;
	s10 =	sadd.s32 s15, s10;
	s30 =	sadd.s32 $0x258, s28  }
0xe: {  	s11 =	sadd.s32 $0x190, s28;
	s15 =	simm.s32 $0x200;
	s22 =	simm.s32 $0x0  }
0xf: {  	s25 =	sshrl.u32 s13, $0x3;
	s6 =	sadd.s32 s4, s24;
	s29 =	sshll.u32 s13, $0x4  }
0x10: {  	s10 =	sadd.s32 $0x1900, s10;
	s31 =	sshrl.u32 s30, $0x3;
	s13 =	simm.s32 $0x5  }
0x11: {  	s7 =	sadd.s32 s4, s25;
	s9 =	sadd.s32 s12, s29;
	s12 =	sadd.s32 s31, s4  }
.LBB2_1:
0x12: {  	[tilespmem:s2], [sflag:$0x5] =	stream.linear.gather [hbm4b:s6+s2], $0xC8, $0x38;
	[tilespmem:$0xCA00] =	vst v63  }
0x13: {  	_ =	swait.ge [sflag:s13], $0xC8  }
0x14: {  	[sflag:s13] =	ssyncset.done $0x0  }
0x15: {  	[sflag:s13] =	ssyncadd.s32 $0xFFFFFF38  }
0x16: {  	[tilespmem:s15], [sflag:$0x1] =	stream.indirect.gather [hbm4b:s3+s14], $0x80, s2, s14, $0xb8;
	[tilespmem:$0xCA00] =	vst v63  }
0x17: {  	_ = 	snop  }
0x18: {  	[tilespmem:s16], [sflag:$0x5] =	stream.linear.gather [hbm4b:s7+s2], $0xC8, $0x38;
	[tilespmem:$0xCA00] =	vst v63  }
0x19: {  	_ =	swait.ge [sflag:s13], $0xC8  }
0x1a: {  	[sflag:s13] =	ssyncset.done $0x0  }
0x1b: {  	[sflag:s13] =	ssyncadd.s32 $0xFFFFFF38  }
0x1c: {  	[tilespmem:s17], [sflag:$0x2] =	stream.indirect.gather [hbm4b:s3+s14], $0x80, s16, s14, $0xb8;
	[tilespmem:$0xCA00] =	vst v63  }
0x1d: {  	_ =	swait.ge [sflag:s18], $0x6400  }
0x1e: {  	[sflag:s18] =	ssyncset.done $0x0  }
0x1f: {  	[sflag:s18] =	ssyncadd.s32 $0xFFFF9C00  }
0x20: {  	[hbm4b:s8+s2] =	stream.linear.scatter [tilespmem:s15], [sflag:$0x3], $0x6400, $0x38;
	[tilespmem:$0xCA00] =	vst v63  }
0x21: {  	_ =	swait.ge [sflag:s19], $0x6400  }
0x22: {  	[sflag:s19] =	ssyncset.done $0x0  }
0x23: {  	[sflag:s19] =	ssyncadd.s32 $0xFFFF9C00  }
0x24: {  	[hbm4b:s9+s2] =	stream.linear.scatter [tilespmem:s17], [sflag:$0x4], $0x6400, $0x38;
	[tilespmem:$0xCA00] =	vst v63  }
0x25: {  	_ =	swait.ge [sflag:s20], $0x6400  }
0x26: {  	[sflag:s20] =	ssyncset.done $0x0  }
0x27: {  	[sflag:s20] =	ssyncadd.s32 $0xFFFF9C00  }
0x28: {  	_ =	swait.ge [sflag:s21], $0x6400  }
0x29: {  	s23 =	sshrl.u32 s11, $0x3;
	[sflag:s21] =	ssyncset.done $0x0  }
0x2a: {  	s23 =	sadd.s32 s4, s23;
	[sflag:s21] =	ssyncadd.s32 $0xFFFF9C00  }
0x2b: {  	[tilespmem:s2], [sflag:$0x5] =	stream.linear.gather [hbm4b:s23+s2], $0xC8, $0x38;
	[tilespmem:$0xCA00] =	vst v63  }
0x2c: {  	_ =	swait.ge [sflag:s13], $0xC8  }
0x2d: {  	[sflag:s13] =	ssyncset.done $0x0  }
0x2e: {  	[sflag:s13] =	ssyncadd.s32 $0xFFFFFF38  }
0x2f: {  	[tilespmem:s15], [sflag:$0x1] =	stream.indirect.gather [hbm4b:s3+s14], $0x80, s2, s14, $0xb8;
	[tilespmem:$0xCA00] =	vst v63  }
0x30: {  	s31 =	sadd.s32 $0x0, s12  }
0x31: {  	[tilespmem:s16], [sflag:$0x5] =	stream.linear.gather [hbm4b:s31+s2], $0xC8, $0x38;
	[tilespmem:$0xCA00] =	vst v63  }
0x32: {  	_ =	swait.ge [sflag:s13], $0xC8  }
0x33: {  	[sflag:s13] =	ssyncset.done $0x0  }
0x34: {  	[sflag:s13] =	ssyncadd.s32 $0xFFFFFF38  }
0x35: {  	[tilespmem:s17], [sflag:$0x2] =	stream.indirect.gather [hbm4b:s3+s14], $0x80, s16, s14, $0xb8;
	[tilespmem:$0xCA00] =	vst v63  }
0x36: {  	_ =	swait.ge [sflag:s18], $0x6400  }
0x37: {  	[sflag:s18] =	ssyncset.done $0x0  }
0x38: {  	[sflag:s18] =	ssyncadd.s32 $0xFFFF9C00  }
0x39: {  	[hbm4b:s10+s2] =	stream.linear.scatter [tilespmem:s15], [sflag:$0x3], $0x6400, $0x38;
	[tilespmem:$0xCA00] =	vst v63  }
0x3a: {  	_ =	swait.ge [sflag:s19], $0x6400  }
0x3b: {  	s24 =	sadd.s32 $0x190, s11;
	s26 =	sadd.s32 $0xC80, s10;
	[sflag:s19] =	ssyncset.done $0x0  }
0x3c: {  	s25 =	sadd.s32 $0x1900, s10;
	s23 =	simm.s32 $0x32;
	[sflag:s19] =	ssyncadd.s32 $0xFFFF9C00  }
.LBB2_2:
0x3d: {  	[hbm4b:s26+s2] =	stream.linear.scatter [tilespmem:s17], [sflag:$0x4], $0x6400, $0x38;
	[tilespmem:$0xCA00] =	vst v63  }
0x3e: {  	s26 =	smov.u32 s23  }
0x3f: {  	p0 =	sne.s32 s23, $0x2BC;
	s23 =	sadd.s32 $0x32, s23;
	_ =	swait.ge [sflag:s20], $0x6400  }
0x40: {  	[sflag:s20] =	ssyncset.done $0x0  }
0x41: {  	[sflag:s20] =	ssyncadd.s32 $0xFFFF9C00  }
0x42: {  	_ =	swait.ge [sflag:s21], $0x6400  }
0x43: {  	s28 =	sshrl.u32 s24, $0x3;
	[sflag:s21] =	ssyncset.done $0x0  }
0x44: {  	s28 =	sadd.s32 s4, s28;
	[sflag:s21] =	ssyncadd.s32 $0xFFFF9C00  }
0x45: {  	[tilespmem:s2], [sflag:$0x5] =	stream.linear.gather [hbm4b:s28+s2], $0xC8, $0x38;
	[tilespmem:$0xCA00] =	vst v63  }
0x46: {  	_ =	swait.ge [sflag:s13], $0xC8  }
0x47: {  	[sflag:s13] =	ssyncset.done $0x0  }
0x48: {  	[sflag:s13] =	ssyncadd.s32 $0xFFFFFF38  }
0x49: {  	[tilespmem:s15], [sflag:$0x1] =	stream.indirect.gather [hbm4b:s3+s14], $0x80, s2, s14, $0xb8;
	[tilespmem:$0xCA00] =	vst v63  }
0x4a: {  	s26 =	sadd.s32 s26, s12  }
0x4b: {  	[tilespmem:s16], [sflag:$0x5] =	stream.linear.gather [hbm4b:s26+s2], $0xC8, $0x38;
	[tilespmem:$0xCA00] =	vst v63  }
0x4c: {  	_ =	swait.ge [sflag:s13], $0xC8  }
0x4d: {  	[sflag:s13] =	ssyncset.done $0x0  }
0x4e: {  	[sflag:s13] =	ssyncadd.s32 $0xFFFFFF38  }
0x4f: {  	[tilespmem:s17], [sflag:$0x2] =	stream.indirect.gather [hbm4b:s3+s14], $0x80, s16, s14, $0xb8;
	[tilespmem:$0xCA00] =	vst v63  }
0x50: {  	_ =	swait.ge [sflag:s18], $0x6400  }
0x51: {  	[sflag:s18] =	ssyncset.done $0x0  }
.Ltmp0:
0x52: {  	[sflag:s18] =	ssyncadd.s32 $0xFFFF9C00;
	(pc) =	sbr.rel @p0 .LBB2_2-.Ltmp0, $4  }
0x53: {  	[hbm4b:s25+s2] =	stream.linear.scatter [tilespmem:s15], [sflag:$0x3], $0x6400, $0x38;
	[tilespmem:$0xCA00] =	vst v63  }
0x54: {  	_ =	swait.ge [sflag:s19], $0x6400  }
0x55: {  	s24 =	sadd.s32 $0x190, s24;
	[sflag:s19] =	ssyncset.done $0x0  }
0x56: {  	s26 =	sadd.s32 $0xC80, s25;
	s25 =	sadd.s32 $0x1900, s25;
	[sflag:s19] =	ssyncadd.s32 $0xFFFF9C00  }
0x57: {  	[hbm4b:s26+s2] =	stream.linear.scatter [tilespmem:s17], [sflag:$0x4], $0x6400, $0x38;
	[tilespmem:$0xCA00] =	vst v63  }
0x58: {  	s22 =	sadd.s32 $0x1, s22  }
0x59: {  	_ =	swait.ge [sflag:s20], $0x6400;
	p0 =	sne.s32 s22, s5  }
.Ltmp1:
0x5a: {  	[sflag:s20] =	ssyncset.done $0x0;
	(pc) =	sbr.rel @p0 .LBB2_1-.Ltmp1, $4  }
0x5b: {  	[sflag:s20] =	ssyncadd.s32 $0xFFFF9C00  }
0x5c: {  	_ =	swait.ge [sflag:s21], $0x6400  }
0x5d: {  	[sflag:s21] =	ssyncset.done $0x0  }
0x5e: {  	[sflag:s21] =	ssyncadd.s32 $0xFFFF9C00  }
0x5f: {  	_ =	sfence.sel $0x180000  }
0x60: {  	[bflag:$0x0] =	sbarrier.arrive $0xFFFF  }
0x61: {  	p0 =	sne.s32 s1, $0x0;
	_ =	strace $0x90000047  }
0x62: {  	s0 =	sadd.s32 @!p0 $0x100000, s0;
	[bflag:$0x2] =	sbarrier.arrive $0xFFFF  }
0x63: {  	[sflag:s0] =	ssyncadd.tile.s32 @!p0 $0x1;
	_ =	shalt  }
.Lfunc_end2:
_tile_overlayer_lowered:
.L_overlay_start_2:
0x64: {  	(tag) =	ssettag $0x2  }
0x65: {  	s0 =	rddreg [dreg:$0x0];
	s2 =	stileid.u32  }
0x66: {  	s1 =	rddreg [dreg:$0x1];
	p0 =	sne.s32 s2, $0x0  }
0x67: {  	s3 =	rddreg [dreg:$0x2];
	[bflag:$0x3] =	sbarrier.arrive $0xFFFF;
	s2 =	simm.s32 @!p0 $0x1C05  }
0x68: {  	[timem:s3], [sflag:s2] =	dma.local @!p0 [hbm:s0], s1  }
0x69: {  	s0 =	simm.s32 @!p0 $0x5  }
0x6a: {  	_ =	swait.ge @!p0 [sflag:s0], s1  }
0x6b: {  	s1 =	ssub.s32 @!p0 $0x0, s1;
	[sflag:s0] =	ssyncset.done @!p0 $0x0  }
0x6c: {  	[sflag:s0] =	ssyncadd.s32 @!p0 s1  }
0x6d: {  	[bflag:$0x3] =	sbarrier.arrive $0xFFFF  }
0x6e: {  	_ =	shalt  }

// kernel: sparse-core-data-format-call.cloned.1.call-start
scs
called_computation_lowered:
.L_overlay_start_0:
0x0: {  	s2 =	sld [smem:$0x3FD9]  }
0x1: {  	s3 =	sld [smem:$0x3FFE];
	_ =	sdelay $0x1  }
0x2: {  	s1 =	srdreg.scid  }
0x3: {  	s0 =	sand.u32 $0x1, s1  }
0x4: {  	s18 =	sshll.u32 s0, $0xA;
	s2 =	sadd.s32 s3, s2  }
0x5: {  	s2 =	sadd.s32 s2, s18  }
0x6: {  	[smem:$0x3FC4] =	sst s2  }
0x7: {  	_ = 	snop  }
0x8: {  	s2 =	sld [smem:$0x3FD0];
	(tm) =	ssettm $0x1  }
0x9: {  	s19 =	sld [smem:$0x3FFB];
	_ =	sdelay $0x3  }
0xa: {  	_ =	strace s19  }
0xb: {  	s3 =	sld [smem:$0x3FFC];
	_ =	sdelay $0x3  }
0xc: {  	_ =	strace s3  }
0xd: {  	s3 =	sld [smem:$0x3FFD];
	_ =	sdelay $0x3  }
0xe: {  	_ =	strace s3  }
0xf: {  	_ =	strace $0x8FFFFFFF  }
0x10: {  	s20 =	sld [smem:$0x3FDB];
	_ =	sdelay $0x1  }
0x11: {  	s4 =	simm.s32 $_scs_section_size  }
0x12: {  	s5 =	simm.s32 $_size__tile_overlayer_lowered;
	s6 =	simm.s32 $_tile_overlayer_lowered  }
0x13: {  	s23 =	simm.s32 $0x1BFF;
	s22 =	sshll.u32 s6, $0x1;
	s3 =	sadd.s32 s4, s20  }
0x14: {  	s7 =	simm.s32 $0x0;
	s21 =	sshll.u32 s5, $0x1;
	s5 =	sadd.s32 s22, s3  }
0x15: {  	[timem:s7], [sflag:s23] =	dma.local [hbm:s5], s21  }
0x16: {  	_ =	swait.ge [sflag:s23], s21  }
0x17: {  	s4 =	ssub.s32 $0x0, s21;
	[sflag:s23] =	ssyncset.done $0x0  }
0x18: {  	[sflag:s23] =	ssyncadd.s32 s4;
	_ =	sdelay $0x1  }
0x19: {  	s24 =	simm.s32 $0x1B8B  }
0x1a: {  	_ =	swait.ge [sflag:s24], $0x1  }
0x1b: {  	[sflag:s24] =	ssyncset.done $0x0  }
0x1c: {  	s26 =	simm.s32 $0x1B8E;
	s25 =	sld [smem:$0x3FFE];
	[sflag:s24] =	ssyncadd.s32 $0xFFFFFFFF  }
0x1d: {  	s27 =	simm.s32 $execute0_lowered;
	[smem:$0x3FD2] =	sst s26  }
0x1e: {  	s5 =	sshll.u32 s27, $0x1;
	_ =	strace $0x80000049;
	[dreg:$0x1] =	wrdreg $0xFFFFFFFF  }
0x1f: {  	s28 =	simm.s32 $_size_execute0_lowered;
	s3 =	sadd.s32 s3, s5;
	[dreg:$0x0] =	wrdreg $0x0  }
0x20: {  	s5 =	sshll.u32 s28, $0x1;
	[dreg:$0x2] =	wrdreg s3  }
0x21: {  	[dreg:$0x3] =	wrdreg s5  }
0x22: {  	[dreg:$0x4] =	wrdreg $0xC0  }
0x23: {  	_ =	task [dreg:s7], $0x5FFFF  }
0x24: {  	[dreg:$0x1] =	wrdreg $0xFFFFFFFF  }
0x25: {  	[dreg:$0x0] =	wrdreg $0x60  }
0x26: {  	[dreg:$0x2] =	wrdreg s25  }
0x27: {  	[dreg:$0x3] =	wrdreg s2  }
0x28: {  	[dreg:$0x4] =	wrdreg $0x9  }
0x29: {  	_ =	task.clear_ibuf [dreg:s7], $0x5FFFF;
	_ =	strace $0x90000049  }
0x2a: {  	s29 =	simm.s32 $0x9;
	_ =	strace $0x8000004B  }
0x2b: {  	_ =	swait.ge [sflag:s29], $0x1  }
0x2c: {  	[sflag:s29] =	ssyncadd.s32 $0xFFFFFFFF  }
0x2d: {  	_ =	strace $0x9000004B  }
0x2e: {  	_ =	sfence  }
0x2f: {  	s30 =	sld [smem:$0x0];
	_ =	sdelay $0x2  }
0x30: {  	s31 =	sshll.u32 s1, $0xD;
	s1 =	sshrl.u32 s1, $0x2  }
0x31: {  	s3 =	sand.u32 $0x4000, s31;
	s1 =	sadd.s32 s1, s30  }
0x32: {  	s0 =	sor.u32 s3, s0;
	s1 =	sshll.u32 s1, $0x11  }
0x33: {  	s0 =	sor.u32 s1, s0  }
0x34: {  	s0 =	sadd.s32 $0x8F2B, s0  }
0x35: {  	[sflag:s0] =	ssyncadd.remote.s32 $0x1  }
0x36: {  	_ =	sfence.sel $0xFFFF  }
0x37: {  	[dreg:$0x0] =	wrdreg $0xFFFFFFFF;
	(pc) =	sbr.abs _section_cstart, $3  }
0x38: {  	[dreg:$0x1] =	wrdreg $0xFFFFFFFF  }
0x39: {  	_ =	task.clear_ibuf [dreg:s7], $0x2FFFF;
	_ =	strace $0x9FFFFFFF  }
0x3a: {  	(tm) =	ssettm $0x7FFFFFFF  }
0x3b: {  	_ =	shalt  }
tec
execute0_lowered:
.L_overlay_start_1:
0x0: {  	(tag) =	ssettag $0x1  }
0x1: {  	s0 =	srdreg.scid;
	s6 =	rddreg [dreg:$0x0]  }
0x2: {  	s3 =	rddreg [dreg:$0x1];
	s1 =	sshll.u32 s0, $0x4  }
0x3: {  	s5 =	simm.s32 $0x1;
	s0 =	stileid.u32;
	s1 =	sand.u32 $0x10, s1  }
0x4: {  	s31 =	simm.s32 $0x2;
	s16 =	simm.s32 $0x0;
	s1 =	sor.u32 s0, s1  }
0x5: {  	s8 =	simm.s32 $0x8000;
	s18 =	simm.s32 $0x0;
	s2 =	sshll.u32 s1, $0x7  }
0x6: {  	s17 =	simm.s32 $0x0;
	s9 =	simm.s32 $0x0;
	s4 =	ssub.s32 $0x1000, s2  }
0x7: {  	s10 =	simm.s32 $0x0;
	s11 =	simm.s32 $0x0;
	s30 =	sand.u32 $0xF80, s4  }
0x8: {  	s12 =	simm.s32 $0x0;
	s13 =	simm.s32 $0x0;
	p0 =	sne.s32 s30, $0x0  }
.Ltmp0:
0x9: {  	s7 =	sshrl.u32 s4, $0xC;
	s5 =	simm.s32 @!p0 $0x0;
	(pc) =	sbr.rel .LBB1_1-.Ltmp0, $4  }
0xa: {  	s15 =	simm.s32 $0x0;
	s1 =	rddreg [dreg:$0x2];
	s5 =	sadd.s32 s5, s7  }
0xb: {  	_ =	strace $0x8000004A;
	s4 =	simm.s32 $0x1;
	s5 =	smul.u32 $0x64, s5  }
0xc: {  	s6 =	sadd.s32 $0x2600, s6;
	s14 =	smov.u32 s2;
	[sflag:s4] =	ssyncpa.u1 $0x0  }
0xd: {  	[sflag:s31] =	ssyncpa.u1 $0x0;
	p0 =	por $0x0, $0x0;
	s7 =	sor.u32 $0x1, s5  }
.LBB1_4:
0xe: {  	s23 =	sshra.s32 s23, $0x2;
	s30 =	sshll.u32 s9, $0xC  }
0xf: {  	p1 =	sgt.s32 s10, $0x31;
	s24 =	smov.u32 s10;
	s25 =	sshra.s32 s10, $0x1F  }
0x10: {  	s26 =	sshll.u32 s11, $0x3;
	s28 =	smov.u32 s11;
	s29 =	sshra.s32 s11, $0x1F  }
0x11: {  	s22 =	sadd.s32 s23, s22;
	s24 =	simm.s32 @!p1 $0x31;
	s25 =	sand.u32 s25, s10  }
0x12: {  	s23 =	sand.u32 $0xFFFF8000, s30;
	s27 =	sand.u32 $0xFFFFFC00, s26;
	p1 =	sgt.s32 s9, $0x40  }
0x13: {  	s31 =	sand.u32 s29, s11;
	s29 =	sshll.u32 s9, $0x7;
	s30 =	sshra.s32 s9, $0x1F  }
0x14: {  	[tilespmem:s21+$0x2040 ss:$0x81] =	vst.msk $0xffff, v4;
	s24 =	ssub.s32 s24, s25;
	s23 =	sadd.s32 s27, s23;
	s27 =	smov.u32 s9  }
0x15: {  	[tilespmem:s21+$0x2850 ss:$0x81] =	vst.msk $0xffff, v3;
	s29 =	sand.u32 $0x380, s29;
	s25 =	sadd.s32 $0xFFFFFFCF, s24;
	s27 =	simm.s32 @!p1 $0x40  }
0x16: {  	v5 =	vld [tilespmem:s20+$0xFFFFFFD0];
	[tilespmem:s21+$0x3060 ss:$0x81] =	vst.msk $0xffff, v2;
	p1 =	sgt.s32 s11, $0xF80;
	s23 =	sshrl.u32 s23, $0xC;
	s24 =	ssub.s32 $0x32, s24  }
0x17: {  	v58 =	vld [tilespmem:s20+$0xFFFFFFE0];
	[tilespmem:s21+$0x0 ss:$0x81] =	vst.msk $0xffff, v1;
	s28 =	simm.s32 @!p1 $0xF80;
	p1 =	sgt.s32 s25, $0x0;
	s21 =	smulhi.u32 $0x1555556, s23  }
0x18: {  	v59 =	vld [tilespmem:s20+$0xFFFFFFF0];
	s25 =	ssub.s32 s28, s31;
	s28 =	sand.u32 s30, s9;
	s24 =	simm.s32 @p1 $0x0  }
0x19: {  	v60 =	vld [tilespmem:s20+$0x0];
	s27 =	ssub.s32 s27, s28;
	s31 =	sadd.s32 $0xFFFFF080, s25;
	s25 =	ssub.s32 $0x1000, s25  }
0x1a: {  	v61 =	vld [tilespmem:s20+$0x10];
	[tilespmem:s22+$0x3870 ss:$0x81] =	vst.msk $0xffff, v0;
	s21 =	smul.u32 $0xC0, s21;
	s28 =	sand.u32 $0x7, s11;
	p1 =	sgt.s32 s31, $0x7F  }
0x1b: {  	v62 =	vld [tilespmem:s20+$0x20];
	[tilespmem:s22+$0x810 ss:$0x81] =	vst.msk $0xffff, v5;
	s30 =	sadd.s32 $0xFFFFFFC0, s27;
	s31 =	sand.u32 $0x78, s11;
	s25 =	simm.s32 @p1 $0x0  }
0x1c: {  	v63 =	vld [tilespmem:s20+$0xFFFFFFC0];
	[tilespmem:s22+$0x1020 ss:$0x81] =	vst.msk $0xffff, v58;
	p1 =	sgt.s32 s30, $0x7F;
	s30 =	sand.u32 $0xC00, s26;
	s24 =	smul.u32 s25, s24  }
0x1d: {  	[tilespmem:s22+$0x1830 ss:$0x81] =	vst.msk $0xffff, v59;
	s26 =	ssub.s32 $0xC0, s27;
	s20 =	sor.u32 s31, s30;
	s31 =	smul.u32 $0x18000, s10  }
0x1e: {  	[tilespmem:s22+$0x2040 ss:$0x81] =	vst.msk $0xffff, v60;
	s21 =	ssub.s32 s23, s21;
	s26 =	simm.s32 @p1 $0x0;
	s20 =	sor.u32 s29, s20  }
0x1f: {  	[tilespmem:s22+$0x2850 ss:$0x81] =	vst.msk $0xffff, v61;
	s26 =	smul.u32 s26, s24;
	s20 =	sshrl.u32 s20, $0x3;
	s27 =	sadd.s32 s3, s31  }
0x20: {  	[tilespmem:s22+$0x3060 ss:$0x81] =	vst.msk $0xffff, v62;
	s21 =	sshll.u32 s21, $0x9;
	s29 =	sshll.u32 s28, $0x12;
	s20 =	sadd.s32 s20, s27  }
0x21: {  	[tilespmem:s22+$0x0 ss:$0x81] =	vst.msk $0xffff, v63;
	s31 =	sor.u32 $0x400, s29;
	s30 =	sand.u32 $0x3FFFFFFF, s26;
	s20 =	sadd.s32 s21, s20  }
0x22: {  	[hbm4b:s20+s31] =	stream.strided.scatter [tilespmem:s19], [sflag:$0x2], s30, s8, s31, $0x20;
	[tilespmem:$0x10100] =	vst v63  }
.LBB1_5:
0x23: {  	p1 =	slt.u32 s15, $0x2  }
0x24: {  	p2 =	sgt.s32 @!p1 s18, $0x31  }
0x25: {  	s19 =	smov.u32 s18;
	s20 =	sshra.s32 @!p1 s18, $0x1F;
	p2 =	por !p2, p1  }
0x26: {  	s18 =	sand.u32 @!p1 s20, s18;
	s19 =	simm.s32 @p2 $0x31  }
0x27: {  	p3 =	sgt.s32 @!p1 s16, $0x40;
	s18 =	ssub.s32 @!p1 s19, s18  }
0x28: {  	p4 =	sgt.s32 @!p1 s17, $0xF80;
	s21 =	sshra.s32 @!p1 s17, $0x1F;
	s19 =	sadd.s32 @!p1 $0xFFFFFFCF, s18  }
0x29: {  	s20 =	smov.u32 s16;
	p2 =	sgt.s32 @!p1 s19, $0x0;
	s19 =	sshra.s32 @!p1 s16, $0x1F  }
0x2a: {  	p4 =	por !p4, p1;
	s16 =	sand.u32 @!p1 s19, s16;
	s19 =	smov.u32 s17  }
0x2b: {  	p3 =	por !p3, p1;
	s17 =	sand.u32 @!p1 s21, s17;
	s19 =	simm.s32 @p4 $0xF80  }
0x2c: {  	s20 =	simm.s32 @p3 $0x40;
	s18 =	ssub.s32 @!p1 $0x32, s18;
	s17 =	ssub.s32 @!p1 s19, s17  }
0x2d: {  	p2 =	por !p2, p1;
	s16 =	ssub.s32 @!p1 s20, s16;
	s20 =	sadd.s32 @!p1 $0xFFFFF080, s17  }
0x2e: {  	s18 =	simm.s32 @!p2 $0x0;
	p3 =	sgt.s32 @!p1 s20, $0x7F  }
0x2f: {  	s19 =	sadd.s32 @!p1 $0xFFFFFFC0, s16;
	s17 =	ssub.s32 @!p1 $0x1000, s17;
	p3 =	por !p3, p1  }
0x30: {  	p2 =	sgt.s32 @!p1 s19, $0x7F;
	s19 =	sadd.s32 $0x80, s12;
	s17 =	simm.s32 @!p3 $0x0  }
0x31: {  	p3 =	sgt.s32 s19, $0xBF;
	s17 =	smul.u32 @!p1 s17, s18;
	s18 =	simm.s32 $0x1  }
0x32: {  	s16 =	ssub.s32 @!p1 $0xC0, s16;
	p2 =	por !p2, p1;
	s18 =	simm.s32 @!p3 $0x0  }
0x33: {  	s21 =	smov.u32 s14;
	s16 =	simm.s32 @!p2 $0x0;
	s20 =	sadd.s32 s18, s13  }
0x34: {  	s16 =	smul.u32 @!p1 s16, s17;
	s17 =	sadd.s32 $0x1000, s14;
	p2 =	sgt.s32 s20, $0x31  }
0x35: {  	p0 =	por !p0, !p0;
	s22 =	simm.s32 @!p1 $0x2;
	s21 =	smov.u32 @p2 s17  }
0x36: {  	s19 =	simm.s32 @p3 $0x0;
	s20 =	simm.s32 @p2 $0x0;
	p2 =	sgt.s32 s21, $0xFFF  }
0x37: {  	s18 =	smov.u32 s10;
	s21 =	smov.u32 @p2 s2;
	p2 =	sne.s32 s15, s7  }
.Ltmp1:
0x38: {  	s10 =	smov.u32 s13;
	s16 =	sand.u32 @!p1 $0x3FFFFFFF, s16;
	(pc) =	sbr.rel @!p2 .LBB1_6-.Ltmp1, $4  }
0x39: {  	s17 =	smov.u32 s11;
	s11 =	smov.u32 s14;
	_ =	swait.ge @!p1 [sflag:s22], s16  }
0x3a: {  	s23 =	ssub.s32 @!p1 $0x0, s16;
	s16 =	smov.u32 s9;
	s9 =	smov.u32 s12  }
0x3b: {  	s12 =	smov.u32 s19;
	s13 =	smov.u32 s20;
	[sflag:s22] =	ssyncset.done @!p1 $0x0  }
0x3c: {  	s15 =	sadd.s32 $0x1, s15;
	[sflag:s22] =	ssyncadd.s32 @!p1 s23;
	s14 =	smov.u32 s21  }
.LBB1_1:
0x3d: {  	p1 =	sge.u32 s15, s5  }
0x3e: {  	s19 =	sshll.u32 @!p1 s13, $0x8;
	s20 =	sshll.u32 @!p1 s12, $0x3  }
0x3f: {  	s21 =	sshll.u32 @!p1 s13, $0x7;
	s19 =	sand.u32 @!p1 $0xFFFFF800, s19;
	s20 =	sand.u32 @!p1 $0xFFFFFC00, s20  }
0x40: {  	s19 =	sadd.s32 @!p1 s19, s20;
	s20 =	sand.u32 @!p1 $0x300, s21  }
0x41: {  	s19 =	sor.u32 @!p1 s20, s19  }
0x42: {  	s19 =	sshrl.u32 @!p1 s19, $0x8  }
0x43: {  	s31 =	sadd.s32 $0xFFFFFFFF, s15;
	s20 =	smulhi.u32 @!p1 $0x4924925, s19  }
0x44: {  	s22 =	sxor.u32 @!p1 $0xFFFFFFFF, s15;
	s23 =	sand.u32 @!p1 $0x78, s12;
	s24 =	smul.u32 @!p1 $0x700, s14  }
0x45: {  	s22 =	sshll.u32 @!p1 s22, $0xE;
	s21 =	sand.u32 @!p1 $0x80, s21;
	s20 =	smul.u32 @!p1 $0x38, s20  }
0x46: {  	s22 =	sand.u32 @!p1 $0x4000, s22;
	s21 =	sor.u32 @!p1 s23, s21;
	s23 =	sand.u32 @!p1 $0x7, s12  }
0x47: {  	s19 =	ssub.s32 @!p1 s19, s20;
	s20 =	sshrl.u32 @!p1 s21, $0x3;
	s21 =	sadd.s32 @!p1 s6, s24  }
0x48: {  	s19 =	sshll.u32 @!p1 s19, $0x5;
	s20 =	sadd.s32 @!p1 s20, s21;
	s21 =	sshll.u32 @!p1 s23, $0x12  }
0x49: {  	s19 =	sadd.s32 @!p1 s19, s20;
	s20 =	sor.u32 @!p1 $0x80, s21;
	s21 =	simm.s32 @!p1 $0x3800  }
0x4a: {  	[tilespmem:s22], [sflag:$0x1] =	stream.strided.gather @!p1 [hbm4b:s19+s20], $0x4000, s21, s20, $0x38;
	[tilespmem:$0x10100] =	vst v63  }
0x4b: {  	p1 =	sge.u32 s31, s5  }
.Ltmp2:
0x4c: {  	_ = 	snop;
	(pc) =	sbr.rel @p1 .LBB1_5-.Ltmp2, $1  }
0x4d: {  	_ =	sdelay $0x3  }
0x4e: {  	s19 =	simm.s32 $0x1  }
0x4f: {  	_ =	swait.ge [sflag:s4], $0x4000;
	s19 =	simm.s32 @!p0 $0x0  }
0x50: {  	[sflag:s4] =	ssyncset.done $0x0;
	s20 =	sshll.u32 s19, $0xE  }
0x51: {  	[sflag:s4] =	ssyncadd.s32 $0xFFFFC000;
	s20 =	sor.u32 $0x40, s20  }
0x52: {  	s19 =	smul.u32 $0x10200, s19;
	v0 =	vld [tilespmem:s20+$0x30]  }
0x53: {  	v1 =	vld [tilespmem:s20+$0xFFFFFFD0]  }
0x54: {  	s19 =	sshrl.u32 s19, $0x2;
	v5 =	vld [tilespmem:s20+$0xFFFFFFE0]  }
0x55: {  	v6 =	vld [tilespmem:s20+$0xFFFFFFF0];
	s22 =	sor.u32 $0x8000, s19  }
0x56: {  	s31 =	sand.u32 $0x1, s15;
	v4 =	vld [tilespmem:s20+$0x0];
	s21 =	sadd.s32 $0x0, s22  }
0x57: {  	v3 =	vld [tilespmem:s20+$0x10];
	s19 =	smul.u32 $0x10200, s31;
	[tilespmem:s21+$0x3870 ss:$0x81] =	vst.msk $0xffff, v0  }
0x58: {  	v2 =	vld [tilespmem:s20+$0x20];
	[tilespmem:s21+$0x810 ss:$0x81] =	vst.msk $0xffff, v1  }
0x59: {  	s19 =	sshrl.u32 s19, $0x2;
	v1 =	vld [tilespmem:s20+$0xFFFFFFC0];
	[tilespmem:s21+$0x1020 ss:$0x81] =	vst.msk $0xffff, v5;
	s20 =	sadd.s32 $0x80, s20  }
0x5a: {  	s23 =	simm.s32 $0x4;
	s24 =	simm.s32 $0x8;
	s19 =	sor.u32 $0x8000, s19;
	[tilespmem:s21+$0x1830 ss:$0x81] =	vst.msk $0xffff, v6;
	v0 =	vld [tilespmem:s20+$0x30]  }
.LBB1_3:
0x5b: {  	p1 =	sne.s32 s24, $0x1FC;
	v5 =	vld [tilespmem:s20+$0xFFFFFFD0];
	[tilespmem:s21+$0x2040 ss:$0x81] =	vst.msk $0xffff, v4  }
0x5c: {  	v6 =	vld [tilespmem:s20+$0xFFFFFFE0];
	[tilespmem:s21+$0x2850 ss:$0x81] =	vst.msk $0xffff, v3  }
0x5d: {  	s25 =	sshra.s32 s23, $0x2;
	s23 =	smov.u32 s24;
	v7 =	vld [tilespmem:s20+$0xFFFFFFF0];
	[tilespmem:s21+$0x3060 ss:$0x81] =	vst.msk $0xffff, v2  }
.Ltmp3:
0x5e: {  	v4 =	vld [tilespmem:s20+$0x0];
	[tilespmem:s21+$0x0 ss:$0x81] =	vst.msk $0xffff, v1;
	s21 =	sadd.s32 s25, s22;
	(pc) =	sbr.rel @p1 .LBB1_3-.Ltmp3, $4  }
0x5f: {  	v3 =	vld [tilespmem:s20+$0x10];
	[tilespmem:s21+$0x3870 ss:$0x81] =	vst.msk $0xffff, v0  }
0x60: {  	[tilespmem:s21+$0x810 ss:$0x81] =	vst.msk $0xffff, v5;
	v2 =	vld [tilespmem:s20+$0x20]  }
0x61: {  	v1 =	vld [tilespmem:s20+$0xFFFFFFC0];
	[tilespmem:s21+$0x1020 ss:$0x81] =	vst.msk $0xffff, v6;
	s20 =	sadd.s32 $0x80, s20  }
0x62: {  	s24 =	sadd.s32 $0x4, s24;
	v0 =	vld [tilespmem:s20+$0x30];
	[tilespmem:s21+$0x1830 ss:$0x81] =	vst.msk $0xffff, v7  }
.Ltmp4:
0x63: {  	_ = 	snop;
	(pc) =	sbr.rel .LBB1_4-.Ltmp4, $1  }
0x64: {  	_ =	sdelay $0x3  }
.LBB1_6:
0x65: {  	_ =	sfence.sel $0x180000  }
0x66: {  	s2 =	simm.s32 $0x1;
	[bflag:$0x0] =	sbarrier.arrive $0xFFFF  }
0x67: {  	s31 =	simm.s32 $0x2;
	[sflag:s2] =	ssyncpa.u1 $0x1  }
0x68: {  	[sflag:s31] =	ssyncpa.u1 $0x1  }
0x69: {  	p0 =	sne.s32 s0, $0x0;
	_ =	strace $0x9000004A  }
0x6a: {  	s0 =	sadd.s32 @!p0 $0x100000, s1;
	[bflag:$0x2] =	sbarrier.arrive $0xFFFF  }
0x6b: {  	[sflag:s0] =	ssyncadd.tile.s32 @!p0 $0x1;
	_ =	shalt  }
.Lfunc_end1:
_tile_overlayer_lowered:
.L_overlay_start_2:
0x6c: {  	(tag) =	ssettag $0x2  }
0x6d: {  	s0 =	rddreg [dreg:$0x0];
	s2 =	stileid.u32  }
0x6e: {  	s1 =	rddreg [dreg:$0x1];
	p0 =	sne.s32 s2, $0x0  }
0x6f: {  	s3 =	rddreg [dreg:$0x2];
	[bflag:$0x3] =	sbarrier.arrive $0xFFFF;
	s2 =	simm.s32 @!p0 $0x1C01  }
0x70: {  	[timem:s3], [sflag:s2] =	dma.local @!p0 [hbm:s0], s1  }
0x71: {  	s0 =	simm.s32 @!p0 $0x1  }
0x72: {  	_ =	swait.ge @!p0 [sflag:s0], s1  }
0x73: {  	s1 =	ssub.s32 @!p0 $0x0, s1;
	[sflag:s0] =	ssyncset.done @!p0 $0x0  }
0x74: {  	[sflag:s0] =	ssyncadd.s32 @!p0 s1  }
0x75: {  	[bflag:$0x3] =	sbarrier.arrive $0xFFFF  }
0x76: {  	_ =	shalt  }

</sc_bundles>
